<compile_context>
chip_gen: v7x
topology: tpu7x:2x2x1
jax: 0.10.2.dev20260603
libtpu: 0.0.44.dev20260713+nightly
codegen_flags: <defaults>
</compile_context>

<pallas_src>
import functools

import jax
import jax.numpy as jnp
from jax import lax
from jax.experimental import pallas as pl
from jax.experimental.pallas import tpu as pltpu
from jax.experimental.pallas import tpu_sc as plsc

_N = 8192
_K = 50
_EMB = 32
_D = 3 * _EMB
_P = _N * _K
_NW = 32
_PPW = _P // _NW
_GRP = _PPW // 16
_R = 64


def _sc_indices(packed_hbm, speaker_hbm, bucket_hbm, idx_hbm,
                packed_v, speaker_v, bucket_v, idx_w):
    sid = lax.axis_index("s")
    w = sid * 2 + lax.axis_index("c")
    base_w = w * _PPW

    pltpu.sync_copy(packed_hbm.at[pl.ds(base_w, _PPW)], packed_v)
    pltpu.sync_copy(speaker_hbm, speaker_v)
    pltpu.sync_copy(bucket_hbm, bucket_v)

    def group(j, carry):
        pk = packed_v[pl.ds(j * 16, 16)]
        t = pk & 8191
        i = (pk >> 13) & 8191
        s_i = pk >> 26
        s_t = plsc.load_gather(speaker_v, [t])
        same = (s_i == s_t).astype(jnp.int32)
        d = jnp.maximum(i - t, 1)
        bucket = plsc.load_gather(bucket_v, [d])
        idx_w[pl.ds(j * 16, 16)] = same * 9 + bucket
        return carry

    lax.fori_loop(0, _GRP, group, 0)
    pltpu.sync_copy(idx_w, idx_hbm.at[pl.ds(base_w, _PPW)])


def _tc_expand(idx_ref, tbl_ref, out_ref):
    oh = (idx_ref[...][:, :, None] ==
          lax.broadcasted_iota(jnp.int32, (1, 1, 18), 2)).astype(jnp.float32)
    flat = oh.reshape(_R * _K, 18)
    res = jnp.dot(flat, tbl_ref[...], preferred_element_type=jnp.float32)
    out_ref[...] = res.reshape(_R, _K, _D)


@jax.jit
def kernel(top_indices, speaker_map, speaker_emb, distance_emb, genre_emb):
    table = jnp.concatenate(
        [
            jnp.repeat(speaker_emb, 9, axis=0),
            jnp.tile(distance_emb, (2, 1)),
            jnp.broadcast_to(genre_emb[0:1], (18, _EMB)),
        ],
        axis=1,
    )
    top_flat = top_indices.reshape(_P).astype(jnp.int32)
    wid_flat = jnp.repeat(jnp.arange(_N, dtype=jnp.int32), _K)
    spk_flat = jnp.repeat(speaker_map.astype(jnp.int32), _K)
    packed_flat = top_flat | (wid_flat << 13) | (spk_flat << 26)
    dd = jnp.maximum(jnp.arange(_N, dtype=jnp.int32), 1)
    bucket_lut = jnp.where(
        dd < 5, dd - 1,
        jnp.minimum(
            jnp.floor(jnp.log2(dd.astype(jnp.float32))), 6.0
        ).astype(jnp.int32) + 2)

    mesh = plsc.VectorSubcoreMesh(core_axis_name="c", subcore_axis_name="s")
    idx_flat = pl.kernel(
        _sc_indices,
        out_type=jax.ShapeDtypeStruct((_P,), jnp.int32),
        mesh=mesh,
        scratch_types=[
            pltpu.VMEM((_PPW,), jnp.int32),
            pltpu.VMEM((_N,), jnp.int32),
            pltpu.VMEM((_N,), jnp.int32),
            pltpu.VMEM((_PPW,), jnp.int32),
        ],
        compiler_params=pltpu.CompilerParams(
            use_tc_tiling_on_sc=False, needs_layout_passes=False),
    )(packed_flat, speaker_map.astype(jnp.int32), bucket_lut)

    out = pl.pallas_call(
        _tc_expand,
        grid=(_N // _R,),
        in_specs=[
            pl.BlockSpec((_R, _K), lambda g: (g, 0)),
            pl.BlockSpec((18, _D), lambda g: (0, 0)),
        ],
        out_specs=pl.BlockSpec((_R, _K, _D), lambda g: (g, 0, 0)),
        out_shape=jax.ShapeDtypeStruct((_N, _K, _D), jnp.float32),
    )(idx_flat.reshape(_N, _K), table)
    return out

# --- scband reference (transcript-rebuilt; emitter-appended) ---
"""Pipeline reference for scband-pairwise-encoder-61607010894569 (READ-ONLY COPY).

The authoritative reference and input builder live on the scoring server;
editing this copy changes nothing except your own understanding.
"""

import jax, jax.numpy as jnp
import numpy as np

N = 8192
K = 50
EMB = 32

def setup_inputs(seed: int = 0) -> dict:
    key = jax.random.key(seed)
    k1, k2, k3, k4, k5 = jax.random.split(key, 5)
    top_indices = jax.random.randint(k1, (N, K), 0, N)
    speaker_map = jax.random.randint(k2, (N,), 0, 16)
    genre_emb = jax.random.normal(k3, (7, EMB), dtype=jnp.float32)
    distance_emb = jax.random.normal(k4, (9, EMB), dtype=jnp.float32)
    speaker_emb = jax.random.normal(k5, (2, EMB), dtype=jnp.float32)
    return {
        "top_indices": top_indices,
        "speaker_map": speaker_map,
        "speaker_emb": speaker_emb,
        "distance_emb": distance_emb,
        "genre_emb": genre_emb,
    }

def reference(top_indices, speaker_map, speaker_emb, distance_emb, genre_emb):
    n = speaker_map.shape[0]
    word_ids = jnp.arange(n)
    # same_speaker: compare speaker of each candidate antecedent vs speaker of each word
    same_speaker = (jnp.take(speaker_map, top_indices, axis=0) == speaker_map[:, None]).astype(jnp.int32)
    ss_emb = jnp.take(speaker_emb, same_speaker, axis=0)  # [N, K, EMB]
    # distance bucketing (torch: clamp_min(1), log2().floor(), clamp_max(6))
    distance = jnp.maximum(word_ids[:, None] - jnp.take(word_ids, top_indices, axis=0), 1)
    log_distance = jnp.floor(jnp.log2(distance.astype(jnp.float32)))
    log_distance = jnp.minimum(log_distance, 6.0).astype(jnp.int32)
    bucket = jnp.where(distance < 5, distance - 1, log_distance + 2)  # values in [0, 8]
    d_emb = jnp.take(distance_emb, bucket, axis=0)  # [N, K, EMB]
    # genre: constant 'sec' -> index 0, broadcast to top_indices shape
    genre = jnp.zeros_like(top_indices)
    g_emb = jnp.take(genre_emb, genre, axis=0)  # [N, K, EMB]
    # dropout_rate = 0.0 (eval) -> identity
    return jnp.concatenate((ss_emb, d_emb, g_emb), axis=2)  # [N, K, 3*EMB]

if __name__ == "__main__":
    import jax
    _d = setup_inputs()
    print(jax.jit(kernel)(*tuple(_d.values())))

</pallas_src>

<mosaic_0001>
#map = affine_map<(d0, d1) -> (0)>
module attributes {stable_mosaic.version = 14 : i64} {
  func.func @_sc_indices(%arg0: i32, %arg1: i32, %arg2: memref<409600xi32, #tpu.memory_space<hbm>>, %arg3: memref<8192xi32, #tpu.memory_space<hbm>>, %arg4: memref<8192xi32, #tpu.memory_space<hbm>>, %arg5: memref<409600xi32, #tpu.memory_space<hbm>>, %arg6: memref<12800xi32, #tpu.memory_space<vmem>>, %arg7: memref<8192xi32, #tpu.memory_space<vmem>>, %arg8: memref<8192xi32, #tpu.memory_space<vmem>>, %arg9: memref<12800xi32, #tpu.memory_space<vmem>>) attributes {dimension_semantics = [#tpu.dimension_semantics<core_parallel>, #tpu.dimension_semantics<subcore_parallel>], iteration_bounds = array<i64: 2, 16>, scalar_prefetch = 0 : i64, scratch_operands = 4 : i64, tpu.core_type = #tpu.core_type<sc_vector_subcore>, window_params = [{transform_indices = #map}, {transform_indices = #map}, {transform_indices = #map}, {transform_indices = #map}]} {
    %mul3A = arith.constant 2 : i32
    %mul3A_0 = arith.muli %arg1, %mul3A : i32
    %add3A = arith.addi %mul3A_0, %arg0 : i32
    %mul3A_1 = arith.constant 12800 : i32
    %mul3A_2 = arith.muli %add3A, %mul3A_1 : i32
    "tpu.region"() ({
      %run_scoped3A = tpu.sem_alloc : memref<!tpu.dma_semaphore, #tpu.memory_space<semaphore_mem>>
      %dma_start3A = tpu.memref_slice %arg2[%mul3A_2] : memref<409600xi32, #tpu.memory_space<hbm>> -> memref<12800xi32, #tpu.memory_space<hbm>>
      %dma_start3A_8 = tpu.memref_slice %arg2[%mul3A_2] : memref<409600xi32, #tpu.memory_space<hbm>> -> memref<12800xi32, #tpu.memory_space<hbm>>
      tpu.enqueue_dma source(%dma_start3A_8 : memref<12800xi32, #tpu.memory_space<hbm>>) target(%arg6 : memref<12800xi32, #tpu.memory_space<vmem>>) target_semaphore(%run_scoped3A : memref<!tpu.dma_semaphore, #tpu.memory_space<semaphore_mem>>)
      %dma_wait3A = tpu.memref_slice %arg2[%mul3A_2] : memref<409600xi32, #tpu.memory_space<hbm>> -> memref<12800xi32, #tpu.memory_space<hbm>>
      %dma_wait3A_9 = tpu.memref_slice %arg2[%mul3A_2] : memref<409600xi32, #tpu.memory_space<hbm>> -> memref<12800xi32, #tpu.memory_space<hbm>>
      tpu.wait_dma2 semaphore(%run_scoped3A : memref<!tpu.dma_semaphore, #tpu.memory_space<semaphore_mem>>) src(%dma_wait3A_9 : memref<12800xi32, #tpu.memory_space<hbm>>) dst(%arg6 : memref<12800xi32, #tpu.memory_space<vmem>>)
      tpu.yield
    }) : () -> ()
    "tpu.region"() ({
      %run_scoped3A = tpu.sem_alloc : memref<!tpu.dma_semaphore, #tpu.memory_space<semaphore_mem>>
      tpu.enqueue_dma source(%arg3 : memref<8192xi32, #tpu.memory_space<hbm>>) target(%arg7 : memref<8192xi32, #tpu.memory_space<vmem>>) target_semaphore(%run_scoped3A : memref<!tpu.dma_semaphore, #tpu.memory_space<semaphore_mem>>)
      tpu.wait_dma2 semaphore(%run_scoped3A : memref<!tpu.dma_semaphore, #tpu.memory_space<semaphore_mem>>) src(%arg3 : memref<8192xi32, #tpu.memory_space<hbm>>) dst(%arg7 : memref<8192xi32, #tpu.memory_space<vmem>>)
      tpu.yield
    }) : () -> ()
    "tpu.region"() ({
      %run_scoped3A = tpu.sem_alloc : memref<!tpu.dma_semaphore, #tpu.memory_space<semaphore_mem>>
      tpu.enqueue_dma source(%arg4 : memref<8192xi32, #tpu.memory_space<hbm>>) target(%arg8 : memref<8192xi32, #tpu.memory_space<vmem>>) target_semaphore(%run_scoped3A : memref<!tpu.dma_semaphore, #tpu.memory_space<semaphore_mem>>)
      tpu.wait_dma2 semaphore(%run_scoped3A : memref<!tpu.dma_semaphore, #tpu.memory_space<semaphore_mem>>) src(%arg4 : memref<8192xi32, #tpu.memory_space<hbm>>) dst(%arg8 : memref<8192xi32, #tpu.memory_space<vmem>>)
      tpu.yield
    }) : () -> ()
    %scan3A = arith.constant 0 : i32
    %scan3A_3 = arith.constant 0 : i32
    %scan3A_4 = arith.constant 800 : i32
    %scan3A_5 = arith.addi %scan3A_3, %scan3A_4 : i32
    %scan3A_6 = arith.constant 1 : i32
    scf.for %scan3A_8 = %scan3A_3 to %scan3A_5 step %scan3A_6  : i32 {
      %mul3A_9 = arith.constant 16 : i32
      %mul3A_10 = arith.muli %scan3A_8, %mul3A_9 : i32
      %get3A = arith.index_cast %mul3A_10 : i32 to index
      %get3A_11 = tpu.vector_load %arg6[%get3A] {strides = array<i32>} : memref<12800xi32, #tpu.memory_space<vmem>>, vector<16xi32>,
      %and3A = arith.constant 8191 : i32
      %and3A_12 = vector.broadcast %and3A : i32 to vector<16xi32>
      %and3A_13 = arith.andi %get3A_11, %and3A_12 : vector<16xi32>
      %shift_right_arithmetic3A = arith.constant 13 : i32
      %shift_right_arithmetic3A_14 = vector.broadcast %shift_right_arithmetic3A : i32 to vector<16xi32>
      %shift_right_arithmetic3A_15 = arith.shrsi %get3A_11, %shift_right_arithmetic3A_14 : vector<16xi32>
      %and3A_16 = arith.constant 8191 : i32
      %and3A_17 = vector.broadcast %and3A_16 : i32 to vector<16xi32>
      %and3A_18 = arith.andi %shift_right_arithmetic3A_15, %and3A_17 : vector<16xi32>
      %shift_right_arithmetic3A_19 = arith.constant 26 : i32
      %shift_right_arithmetic3A_20 = vector.broadcast %shift_right_arithmetic3A_19 : i32 to vector<16xi32>
      %shift_right_arithmetic3A_21 = arith.shrsi %get3A_11, %shift_right_arithmetic3A_20 : vector<16xi32>
      %gather3A = tpu.vector_load_idx %arg7[%and3A_13] : memref<8192xi32, #tpu.memory_space<vmem>>[vector<16xi32>], vector<16xi32>,
      %eq3A = arith.cmpi eq, %shift_right_arithmetic3A_21, %gather3A : vector<16xi32>
      %convert_element_type3A = arith.extui %eq3A : vector<16xi1> to vector<16xi32>
      %sub3A = arith.subi %and3A_18, %and3A_13 : vector<16xi32>
      %max3A = arith.constant 1 : i32
      %max3A_22 = vector.broadcast %max3A : i32 to vector<16xi32>
      %max3A_23 = arith.maxsi %sub3A, %max3A_22 : vector<16xi32>
      %gather3A_24 = tpu.vector_load_idx %arg8[%max3A_23] : memref<8192xi32, #tpu.memory_space<vmem>>[vector<16xi32>], vector<16xi32>,
      %mul3A_25 = arith.constant 9 : i32
      %mul3A_26 = vector.broadcast %mul3A_25 : i32 to vector<16xi32>
      %mul3A_27 = arith.muli %convert_element_type3A, %mul3A_26 : vector<16xi32>
      %add3A_28 = arith.addi %mul3A_27, %gather3A_24 : vector<16xi32>
      %mul3A_29 = arith.constant 16 : i32
      %mul3A_30 = arith.muli %scan3A_8, %mul3A_29 : i32
      %swap3A = arith.index_cast %mul3A_30 : i32 to index
      %swap3A_31 = tpu.vector_load %arg9[%swap3A] {strides = array<i32>} : memref<12800xi32, #tpu.memory_space<vmem>>, vector<16xi32>,
      tpu.vector_store %arg9[%swap3A], %add3A_28 {strides = array<i32>} : memref<12800xi32, #tpu.memory_space<vmem>>, vector<16xi32>,
    }
    %scan3A_7 = arith.constant 800 : i32
    "tpu.region"() ({
      %run_scoped3A = tpu.sem_alloc : memref<!tpu.dma_semaphore, #tpu.memory_space<semaphore_mem>>
      %dma_start3A = tpu.memref_slice %arg5[%mul3A_2] : memref<409600xi32, #tpu.memory_space<hbm>> -> memref<12800xi32, #tpu.memory_space<hbm>>
      %dma_start3A_8 = tpu.memref_slice %arg5[%mul3A_2] : memref<409600xi32, #tpu.memory_space<hbm>> -> memref<12800xi32, #tpu.memory_space<hbm>>
      tpu.enqueue_dma source(%arg9 : memref<12800xi32, #tpu.memory_space<vmem>>) target(%dma_start3A_8 : memref<12800xi32, #tpu.memory_space<hbm>>) target_semaphore(%run_scoped3A : memref<!tpu.dma_semaphore, #tpu.memory_space<semaphore_mem>>)
      %dma_wait3A = tpu.memref_slice %arg5[%mul3A_2] : memref<409600xi32, #tpu.memory_space<hbm>> -> memref<12800xi32, #tpu.memory_space<hbm>>
      %dma_wait3A_9 = tpu.memref_slice %arg5[%mul3A_2] : memref<409600xi32, #tpu.memory_space<hbm>> -> memref<12800xi32, #tpu.memory_space<hbm>>
      tpu.wait_dma2 semaphore(%run_scoped3A : memref<!tpu.dma_semaphore, #tpu.memory_space<semaphore_mem>>) src(%arg9 : memref<12800xi32, #tpu.memory_space<vmem>>) dst(%dma_wait3A_9 : memref<12800xi32, #tpu.memory_space<hbm>>)
      tpu.yield
    }) : () -> ()
    return
  }
}

module attributes {stable_mosaic.version = 14 : i64} {
  func.func @_tc_expand(%arg0: i32, %arg1: memref<64x50xi32, #tpu.memory_space<vmem>>, %arg2: memref<18x96xf32, #tpu.memory_space<vmem>>, %arg3: memref<64x50x96xf32, #tpu.memory_space<vmem>>) attributes {dimension_semantics = [#tpu.dimension_semantics<arbitrary>], iteration_bounds = array<i64: 128>, scalar_prefetch = 0 : i64, scratch_operands = 0 : i64, tpu.core_type = #tpu.core_type<tc>, window_params = [{transform_indices = @transform_0, window_bounds = array<i64: 64, 50>}, {pipeline_mode = #tpu.pipeline_mode<synchronous>, transform_indices = @transform_1, window_bounds = array<i64: 18, 96>}, {transform_indices = @transform_2, window_bounds = array<i64: 64, 50, 96>}]} {
    %get3A = arith.constant 0 : index
    %get3A_0 = arith.constant 0 : index
    %get3A_1 = vector.load %arg1[%get3A, %get3A_0] : memref<64x50xi32, #tpu.memory_space<vmem>>, vector<64x50xi32>
    %broadcast_in_dim3A = vector.shape_cast %get3A_1 : vector<64x50xi32> to vector<64x50x1xi32>
    %iota3A = tpu.iota {dimensions = array<i32: 2>} : vector<1x1x18xi32>
    %eq3A = vector.broadcast %broadcast_in_dim3A : vector<64x50x1xi32> to vector<64x50x18xi32>
    %eq3A_2 = vector.broadcast %iota3A : vector<1x1x18xi32> to vector<64x50x18xi32>
    %eq3A_3 = arith.cmpi eq, %eq3A, %eq3A_2 : vector<64x50x18xi32>
    %convert_element_type3A = arith.extui %eq3A_3 : vector<64x50x18xi1> to vector<64x50x18xi32>
    %convert_element_type3A_4 = arith.sitofp %convert_element_type3A : vector<64x50x18xi32> to vector<64x50x18xf32>
    %reshape3A = vector.shape_cast %convert_element_type3A_4 : vector<64x50x18xf32> to vector<3200x18xf32>
    %get3A_5 = arith.constant 0 : index
    %get3A_6 = arith.constant 0 : index
    %get3A_7 = vector.load %arg2[%get3A_5, %get3A_6] : memref<18x96xf32, #tpu.memory_space<vmem>>, vector<18x96xf32>
    %dot_general3A = arith.constant dense<0.000000e+00> : vector<3200x96xf32>
    %dot_general3A_8 = tpu.matmul %reshape3A, %get3A_7, %dot_general3A {dimension_numbers = #tpu.dot_dimension_numbers<[1], [0], [0], [1], [0, 0, 1, 1], [], []>, transpose_lhs_hint = false} : vector<3200x18xf32>, vector<18x96xf32>, vector<3200x96xf32> -> vector<3200x96xf32>
    %reshape3A_9 = vector.shape_cast %dot_general3A_8 : vector<3200x96xf32> to vector<64x50x96xf32>
    %swap3A = arith.constant 0 : index
    %swap3A_10 = arith.constant 0 : index
    %swap3A_11 = arith.constant 0 : index
    %swap3A_12 = vector.load %arg3[%swap3A, %swap3A_10, %swap3A_11] : memref<64x50x96xf32, #tpu.memory_space<vmem>>, vector<64x50x96xf32>
    tpu.vector_store %arg3[%swap3A, %swap3A_10, %swap3A_11], %reshape3A_9 {strides = array<i32>} : memref<64x50x96xf32, #tpu.memory_space<vmem>>, vector<64x50x96xf32>,
    return
  }
  func.func @transform_0(%arg0: i32) -> (i32, i32) {
    %c0_i32 = arith.constant 0 : i32
    %c0_i32_0 = arith.constant 0 : i32
    return %arg0, %c0_i32 : i32, i32
  }
  func.func @transform_1(%arg0: i32) -> (i32, i32) {
    %c0_i32 = arith.constant 0 : i32
    %c0_i32_0 = arith.constant 0 : i32
    %c0_i32_1 = arith.constant 0 : i32
    return %c0_i32, %c0_i32_0 : i32, i32
  }
  func.func @transform_2(%arg0: i32) -> (i32, i32, i32) {
    %c0_i32 = arith.constant 0 : i32
    %c0_i32_0 = arith.constant 0 : i32
    %c0_i32_1 = arith.constant 0 : i32
    return %arg0, %c0_i32, %c0_i32_0 : i32, i32, i32
  }
}

</mosaic_0001>

<sc_bundles>
// kernel: kernel.4.cloned.1.call-start
scs
__scs_entry_jumppad:
0x0: {  	(pc) =	sbr.rel $0x88, $3  }
0x1: {  	(tag) =	ssettag $0x0;
	lr =	simm.s32 $0x1  }
0x2: {  	[smem:$0x3F9C] =	sst lr;
	_ =	strace $0xD0000000  }
0x3: {  	_ = 	snop  }
0x4: {  	_ = 	snop  }
0x5: {  	_ = 	snop  }
0x6: {  	_ = 	snop  }
0x7: {  	_ = 	snop  }
__scs_overlays_trampoline_lowered:
0x8: {  	[smem:$0x3FAB] =	sst s0  }
0x9: {  	[smem:$0x3FAC] =	sst s1  }
0xa: {  	[smem:$0x3FAD] =	sst s2  }
0xb: {  	[smem:$0x3FAE] =	sst s3  }
0xc: {  	[smem:$0x3FAF] =	sst s4  }
0xd: {  	[smem:$0x3FB0] =	sst s5  }
0xe: {  	[smem:$0x3FB1] =	sst s6  }
0xf: {  	[smem:$0x3FB2] =	sst s7  }
0x10: {  	[smem:$0x3FB3] =	sst s8  }
0x11: {  	[smem:$0x3FB4] =	sst s9;
	s0 =	simm.s32 @!p0 $0x0  }
0x12: {  	s1 =	sld [smem:$0x3F9A];
	s0 =	simm.s32 @p0 $0x1  }
0x13: {  	[smem:$0x3FB5] =	sst s0;
	s0 =	simm.s32 @!p1 $0x0  }
0x14: {  	s2 =	sld [smem:$0x3F99];
	s0 =	simm.s32 @p1 $0x1  }
0x15: {  	[smem:$0x3FB6] =	sst s0;
	s0 =	simm.s32 @!p2 $0x0  }
0x16: {  	s3 =	sld [smem:$0x3FDB];
	s0 =	simm.s32 @p2 $0x1  }
0x17: {  	s4 =	simm.s32 $0x1BF5;
	[smem:$0x3FB8] =	sst s0  }
0x18: {  	s0 =	sld [smem:$0x3F9B];
	_ =	swait.ge [sflag:s4], $0x0  }
0x19: {  	s7 =	sld [smem:$0x3F9C]  }
0x1a: {  	s8 =	sadd.s32 $0xFFFFE003, lr  }
0x1b: {  	s9 =	sadd.s32 $0xFFFFFEF7, lr;
	s5 =	simm.s32 $0xFFFFFFFF;
	p2 =	slt.u32 s8, $0xFFFFF086  }
0x1c: {  	p1 =	slt.u32 s9, $0xF7A;
	s5 =	simm.s32 @!p2 $0x0  }
0x1d: {  	s5 =	simm.s32 @p1 $0x1;
	p0 =	seq.s32 s7, s2  }
0x1e: {  	s7 =	smul.u32 @!p0 $0xF7A, s2;
	p2 =	seq.s32 @!p0 s5, $0x0  }
0x1f: {  	s9 =	smul.u32 $0xF7A, s1;
	s8 =	simm.s32 @!p0 $0x1BF5;
	p2 =	por !p2, p0  }
0x20: {  	[sflag:s8] =	ssyncset.s32 @!p0 $0xFFFFF086;
	s6 =	sadd.s32 @!p0 s3, s7;
	s7 =	simm.s32 @!p0 $0x108  }
0x21: {  	s3 =	sadd.s32 s3, s9;
	s6 =	sadd.s32 @!p0 $0x88, s6;
	s7 =	simm.s32 @p2 $0x1082  }
0x22: {  	[simem:s7], [sflag:s8] =	dma.local @!p0 [hbm:s6], $0xF7A  }
0x23: {  	s9 =	sor.u32 $0xD0000000, s2;
	s6 =	simm.s32 $0x108;
	_ =	swait.ge @!p0 [sflag:s8], $0x0  }
0x24: {  	s3 =	sadd.s32 $0x88, s3;
	s6 =	simm.s32 @!p1 $0x1082;
	[sflag:s4] =	ssyncset.s32 $0xFFFFF086  }
0x25: {  	[simem:s6], [sflag:s4] =	dma.local [hbm:s3], $0xF7A  }
0x26: {  	[smem:$0x3F9C] =	sst s1;
	(tag) =	ssettag s2;
	_ =	strace s9  }
0x27: {  	s1 =	sld [smem:$0x3FAC]  }
0x28: {  	s2 =	sld [smem:$0x3FAD]  }
0x29: {  	s4 =	sld [smem:$0x3FAF]  }
0x2a: {  	p0 =	seq.s32 s5, $0x0;
	s5 =	sld [smem:$0x3FB0]  }
0x2b: {  	s6 =	sld [smem:$0x3FB1]  }
0x2c: {  	s7 =	sld [smem:$0x3FB2]  }
0x2d: {  	s3 =	simm.s32 $0x108;
	s8 =	sld [smem:$0x3FB3]  }
0x2e: {  	s3 =	simm.s32 @!p0 $0x1082;
	s9 =	sld [smem:$0x3FB4]  }
0x2f: {  	lr =	sadd.s32 s0, s3;
	s0 =	sld [smem:$0x3FAB]  }
0x30: {  	s3 =	sld [smem:$0x3FAE]  }
0x31: {  	[smem:$0x3FB7] =	sst s10  }
0x32: {  	s10 =	sld [smem:$0x3FB5];
	_ =	sdelay $0x3  }
0x33: {  	p0 =	seq.s32 s10, $0x1;
	s10 =	sld [smem:$0x3FB7];
	_ =	sdelay $0x3  }
0x34: {  	[smem:$0x3FB7] =	sst s10  }
0x35: {  	s10 =	sld [smem:$0x3FB6];
	_ =	sdelay $0x3  }
0x36: {  	p1 =	seq.s32 s10, $0x1;
	s10 =	sld [smem:$0x3FB7];
	_ =	sdelay $0x3  }
0x37: {  	[smem:$0x3FB7] =	sst s10  }
0x38: {  	s10 =	sld [smem:$0x3FB8]  }
0x39: {  	_ = 	snop;
	(pc) =	sbr.ind lr, $3  }
0x3a: {  	_ = 	snop  }
0x3b: {  	_ = 	snop  }
0x3c: {  	p2 =	seq.s32 s10, $0x1;
	s10 =	sld [smem:$0x3FB7]  }
0x3d: {  	_ =	shalt  }
0x3e: {  	_ =	shalt  }
0x3f: {  	_ =	shalt  }
0x40: {  	_ =	shalt  }
0x41: {  	_ =	shalt  }
0x42: {  	_ =	shalt  }
0x43: {  	_ =	shalt  }
0x44: {  	_ =	shalt  }
0x45: {  	_ =	shalt  }
0x46: {  	_ =	shalt  }
0x47: {  	_ =	shalt  }
0x48: {  	_ =	shalt  }
0x49: {  	_ =	shalt  }
0x4a: {  	_ =	shalt  }
0x4b: {  	_ =	shalt  }
0x4c: {  	_ =	shalt  }
0x4d: {  	_ =	shalt  }
0x4e: {  	_ =	shalt  }
0x4f: {  	_ =	shalt  }
0x50: {  	_ =	shalt  }
0x51: {  	_ =	shalt  }
0x52: {  	_ =	shalt  }
0x53: {  	_ =	shalt  }
0x54: {  	_ =	shalt  }
0x55: {  	_ =	shalt  }
0x56: {  	_ =	shalt  }
0x57: {  	_ =	shalt  }
0x58: {  	_ =	shalt  }
0x59: {  	_ =	shalt  }
0x5a: {  	_ =	shalt  }
0x5b: {  	_ =	shalt  }
0x5c: {  	_ =	shalt  }
0x5d: {  	_ =	shalt  }
0x5e: {  	_ =	shalt  }
0x5f: {  	_ =	shalt  }
0x60: {  	_ =	shalt  }
0x61: {  	_ =	shalt  }
0x62: {  	_ =	shalt  }
0x63: {  	_ =	shalt  }
0x64: {  	_ =	shalt  }
0x65: {  	_ =	shalt  }
0x66: {  	_ =	shalt  }
0x67: {  	_ =	shalt  }
0x68: {  	_ =	shalt  }
0x69: {  	_ =	shalt  }
0x6a: {  	_ =	shalt  }
0x6b: {  	_ =	shalt  }
0x6c: {  	_ =	shalt  }
0x6d: {  	_ =	shalt  }
0x6e: {  	_ =	shalt  }
0x6f: {  	_ =	shalt  }
0x70: {  	_ =	shalt  }
0x71: {  	_ =	shalt  }
0x72: {  	_ =	shalt  }
0x73: {  	_ =	shalt  }
0x74: {  	_ =	shalt  }
0x75: {  	_ =	shalt  }
0x76: {  	_ =	shalt  }
0x77: {  	_ =	shalt  }
0x78: {  	_ =	shalt  }
0x79: {  	_ =	shalt  }
0x7a: {  	_ =	shalt  }
0x7b: {  	_ =	shalt  }
0x7c: {  	_ =	shalt  }
0x7d: {  	_ =	shalt  }
0x7e: {  	_ =	shalt  }
0x7f: {  	_ =	shalt  }
0x80: {  	_ =	shalt  }
0x81: {  	_ =	shalt  }
0x82: {  	_ =	shalt  }
0x83: {  	_ =	shalt  }
0x84: {  	_ =	shalt  }
0x85: {  	_ =	shalt  }
0x86: {  	_ =	shalt  }
0x87: {  	_ =	shalt  }
.Lfunc_end0:
.L_simem_size_0:
called_computation_lowered:
.L_overlay_start_0:
0x88: {  	s2 =	sld [smem:$0x3FD9]  }
0x89: {  	s3 =	sld [smem:$0x3FFE];
	_ =	sdelay $0x1  }
0x8a: {  	s1 =	srdreg.scid  }
0x8b: {  	s0 =	sand.u32 $0x1, s1  }
0x8c: {  	s17 =	sshll.u32 s0, $0xA;
	s2 =	sadd.s32 s3, s2  }
0x8d: {  	s2 =	sadd.s32 s2, s17  }
0x8e: {  	[smem:$0x3FC3] =	sst s2  }
0x8f: {  	_ = 	snop  }
0x90: {  	s2 =	sld [smem:$0x3FC8]  }
0x91: {  	s18 =	sld [smem:$0x3FD0];
	(tm) =	ssettm $0x1  }
0x92: {  	s4 =	sld [smem:$0x3FFB];
	_ =	sdelay $0x3  }
0x93: {  	_ =	strace s4  }
0x94: {  	s4 =	sld [smem:$0x3FFC];
	_ =	sdelay $0x3  }
0x95: {  	_ =	strace s4  }
0x96: {  	s4 =	sld [smem:$0x3FFD];
	_ =	sdelay $0x3  }
0x97: {  	_ =	strace s4  }
0x98: {  	_ =	strace $0x8FFFFFFF  }
0x99: {  	s19 =	sld [smem:$0x3FDB];
	_ =	sdelay $0x1  }
0x9a: {  	s5 =	simm.s32 $_scs_section_size  }
0x9b: {  	s6 =	simm.s32 $_size__tile_overlayer_lowered;
	s7 =	simm.s32 $_tile_overlayer_lowered  }
0x9c: {  	s22 =	simm.s32 $0x1BFF;
	s21 =	sshll.u32 s7, $0x1;
	s4 =	sadd.s32 s5, s19  }
0x9d: {  	s8 =	simm.s32 $0x0;
	s20 =	sshll.u32 s6, $0x1;
	s6 =	sadd.s32 s21, s4  }
0x9e: {  	[timem:s8], [sflag:s22] =	dma.local [hbm:s6], s20  }
0x9f: {  	_ =	swait.ge [sflag:s22], s20  }
0xa0: {  	s5 =	ssub.s32 $0x0, s20;
	[sflag:s22] =	ssyncset.done $0x0  }
0xa1: {  	[sflag:s22] =	ssyncadd.s32 s5;
	_ =	sdelay $0x1  }
0xa2: {  	s23 =	simm.s32 $0x1B8B  }
0xa3: {  	_ =	swait.ge [sflag:s23], $0x1  }
0xa4: {  	[sflag:s23] =	ssyncset.done $0x0  }
0xa5: {  	s25 =	simm.s32 $0x1B8E;
	s24 =	sld [smem:$0x3FFE];
	[sflag:s23] =	ssyncadd.s32 $0xFFFFFFFF  }
0xa6: {  	s26 =	simm.s32 $execute0_lowered;
	[smem:$0x3FD2] =	sst s25  }
0xa7: {  	s6 =	sshll.u32 s26, $0x1;
	_ =	strace $0x80000046;
	[dreg:$0x1] =	wrdreg $0xFFFFFFFF  }
0xa8: {  	s28 =	simm.s32 $_size_execute0_lowered;
	s4 =	sadd.s32 s4, s6;
	[dreg:$0x0] =	wrdreg $0x0  }
0xa9: {  	s6 =	sshll.u32 s28, $0x1;
	[dreg:$0x2] =	wrdreg s4  }
0xaa: {  	[dreg:$0x3] =	wrdreg s6  }
0xab: {  	[dreg:$0x4] =	wrdreg $0xC0  }
0xac: {  	_ =	task [dreg:s8], $0x5FFFF  }
0xad: {  	[dreg:$0x1] =	wrdreg $0xFFFFFFFF  }
0xae: {  	[dreg:$0x0] =	wrdreg $0x60  }
0xaf: {  	[dreg:$0x2] =	wrdreg s18  }
0xb0: {  	[dreg:$0x3] =	wrdreg s2  }
0xb1: {  	[dreg:$0x4] =	wrdreg s24  }
0xb2: {  	[dreg:$0x5] =	wrdreg $0x9  }
0xb3: {  	_ =	task.clear_ibuf [dreg:s8], $0x6FFFF;
	_ =	strace $0x90000046  }
0xb4: {  	s29 =	simm.s32 $0x9;
	_ =	strace $0x80000048  }
0xb5: {  	_ =	swait.ge [sflag:s29], $0x1  }
0xb6: {  	[sflag:s29] =	ssyncadd.s32 $0xFFFFFFFF  }
0xb7: {  	_ =	strace $0x90000048  }
0xb8: {  	_ =	sfence  }
0xb9: {  	s30 =	sld [smem:$0x0];
	_ =	sdelay $0x2  }
0xba: {  	s31 =	sshll.u32 s1, $0xD;
	s1 =	sshrl.u32 s1, $0x2  }
0xbb: {  	s3 =	sand.u32 $0x4000, s31;
	s1 =	sadd.s32 s1, s30  }
0xbc: {  	s0 =	sor.u32 s3, s0;
	s1 =	sshll.u32 s1, $0x11  }
0xbd: {  	s0 =	sor.u32 s1, s0  }
0xbe: {  	s0 =	sadd.s32 $0x8F2B, s0  }
0xbf: {  	[sflag:s0] =	ssyncadd.remote.s32 $0x1  }
0xc0: {  	_ =	sfence.sel $0xFFFF  }
0xc1: {  	[dreg:$0x0] =	wrdreg $0xFFFFFFFF;
	(pc) =	sbr.abs _section_cstart, $3  }
0xc2: {  	[dreg:$0x1] =	wrdreg $0xFFFFFFFF  }
0xc3: {  	_ =	task.clear_ibuf [dreg:s8], $0x2FFFF;
	_ =	strace $0x9FFFFFFF  }
0xc4: {  	(tm) =	ssettm $0x7FFFFFFF  }
0xc5: {  	_ =	shalt  }
tec
execute0_lowered:
.L_overlay_start_1:
0x0: {  	(tag) =	ssettag $0x1  }
0x1: {  	s5 =	rddreg [dreg:$0x0]  }
0x2: {  	s2 =	rddreg [dreg:$0x1];
	s1 =	srdreg.scid  }
0x3: {  	s0 =	stileid.u32;
	s6 =	rddreg [dreg:$0x2]  }
0x4: {  	s3 =	simm.s32 $0x0;
	s10 =	simm.s32 $0x5200;
	s11 =	simm.s32 $0x7200  }
0x5: {  	s12 =	simm.s32 $0x0;
	s4 =	sand.u32 $0x1, s1;
	s7 =	sshll.u32 s0, $0x1  }
0x6: {  	s1 =	rddreg [dreg:$0x3];
	s7 =	sor.u32 s4, s7;
	s8 =	ssub.s32 $0x2, s4  }
0x7: {  	[smem:$0x7FF] =	sst s3;
	s7 =	smul.u32 $0x640, s7;
	s9 =	sshrl.u32 s8, $0x1  }
0x8: {  	_ =	strace $0x80000047;
	s4 =	sadd.s32 $0x800, s6;
	s8 =	ssub.s32 s8, s9  }
0x9: {  	s9 =	simm.s32 $0x3200;
	s6 =	sadd.s32 s7, s6;
	s5 =	sadd.s32 s5, s7  }
0xa: {  	v0 =	vimm.s32 $0x0;
	s7 =	smax.u32 s8, $0x1;
	s8 =	simm.s32 $0x1;
	s6 =	sadd.s32 $0xC00, s6  }
.LBB2_1:
0xb: {  	[tilespmem:s3], [sflag:$0x1] =	stream.linear.gather [hbm4b:s5+s3], $0x3200, $0x38;
	[tilespmem:$0xA400] =	vst v63  }
0xc: {  	_ =	swait.ge [sflag:s8], $0x3200  }
0xd: {  	[sflag:s8] =	ssyncset.done $0x0  }
0xe: {  	[sflag:s8] =	ssyncadd.s32 $0xFFFFCE00  }
0xf: {  	[tilespmem:s9], [sflag:$0x1] =	stream.linear.gather [hbm4b:s2+s3], $0x2000, $0x38;
	[tilespmem:$0xA400] =	vst v63  }
0x10: {  	_ =	swait.ge [sflag:s8], $0x2000  }
0x11: {  	[sflag:s8] =	ssyncset.done $0x0  }
0x12: {  	[sflag:s8] =	ssyncadd.s32 $0xFFFFE000  }
0x13: {  	[tilespmem:s10], [sflag:$0x1] =	stream.linear.gather [hbm4b:s4+s3], $0x2000, $0x38;
	[tilespmem:$0xA400] =	vst v63  }
0x14: {  	_ =	swait.ge [sflag:s8], $0x2000  }
0x15: {  	[sflag:s8] =	ssyncset.done $0x0  }
0x16: {  	s14 =	simm.s32 $0x0;
	[sflag:s8] =	ssyncadd.s32 $0xFFFFE000  }
0x17: {  	v3 =	vld [tilespmem:s14+$0x0];
	_ =	sdelay $0x4  }
0x18: {  	v2 =	vand.u32 $0x1FFF, v3  }
0x19: {  	v4 =	vshrl.u32 v3, $0xD  }
0x1a: {  	v4 =	vand.u32 $0x1FFF, v4  }
0x1b: {  	s13 =	simm.s32 $0x10;
	v4 =	vsub.s32 v4, v2  }
0x1c: {  	v1 =	vld [tilespmem:s13+$0x0];
	vm0 =	vgt.s32 v4, $0x1  }
0x1d: {  	v4 =	vnsel vm0, $0x1, v4;
	v5 =	vld.idx.msk [tilespmem:v2+s9+$0x0], $0xffff;
	_ =	sdelay $0x3  }
0x1e: {  	v3 =	vshra.s32 v3, $0x1A  }
0x1f: {  	v6 =	vshrl.u32 v1, $0xD;
	vm1 =	veq.s32 v3, v5;
	v3 =	vld.idx.msk [tilespmem:v4+s10+$0x0], $0xffff  }
0x20: {  	v6 =	vand.u32 $0x1FFF, v6;
	v2 =	vand.u32 $0x1FFF, v1  }
0x21: {  	v6 =	vsub.s32 v6, v2  }
0x22: {  	vm15 =	vgt.s32 v6, $0x1  }
0x23: {  	s15 =	simm.s32 $0x20;
	s16 =	simm.s32 $0xC0;
	v4 =	vnsel vm15, $0x1, v6;
	v5 =	vsel vm1, $0x9, v0  }
.LBB2_2:
0x24: {  	p0 =	sne.s32 s16, $0xC7C0;
	v6 =	vld [tilespmem:s15+$0x0];
	v3 =	vadd.s32 v3, v5  }
0x25: {  	[tilespmem:s14+$0x7200] =	vst v3;
	s14 =	smov.u32 s13;
	s13 =	smov.u32 s15  }
0x26: {  	v5 =	vld.idx.msk [tilespmem:v2+s9+$0x0], $0xffff;
	_ =	sdelay $0x1  }
0x27: {  	v3 =	vld.idx.msk [tilespmem:v4+s10+$0x0], $0xffff  }
.Ltmp0:
0x28: {  	v4 =	vshrl.u32 v6, $0xD;
	(pc) =	sbr.rel @p0 .LBB2_2-.Ltmp0, $4  }
0x29: {  	v2 =	vand.u32 $0x1FFF, v6;
	v4 =	vand.u32 $0x1FFF, v4  }
0x2a: {  	v7 =	vshra.s32 v1, $0x1A;
	v1 =	vmov v6;
	v4 =	vsub.s32 v4, v2  }
0x2b: {  	vm1 =	veq.s32 v7, v5;
	vm0 =	vgt.s32 v4, $0x1  }
0x2c: {  	s15 =	sshra.s32 s16, $0x2;
	s16 =	sadd.s32 $0x40, s16;
	v5 =	vsel vm1, $0x9, v0;
	v4 =	vnsel vm0, $0x1, v4  }
0x2d: {  	_ = 	snop  }
0x2e: {  	v6 =	vld [tilespmem:s15+$0x0]  }
0x2f: {  	v3 =	vadd.s32 v3, v5  }
0x30: {  	[tilespmem:s14+$0x7200] =	vst v3  }
0x31: {  	v2 =	vld.idx.msk [tilespmem:v2+s9+$0x0], $0xffff;
	_ =	sdelay $0x1  }
0x32: {  	v3 =	vld.idx.msk [tilespmem:v4+s10+$0x0], $0xffff;
	v62 =	vshrl.u32 v6, $0xD  }
0x33: {  	v63 =	vand.u32 $0x1FFF, v6;
	v4 =	vand.u32 $0x1FFF, v62  }
0x34: {  	v1 =	vshra.s32 v1, $0x1A;
	v4 =	vsub.s32 v4, v63  }
0x35: {  	vm1 =	veq.s32 v1, v2;
	vm0 =	vgt.s32 v4, $0x1  }
0x36: {  	v2 =	vsel vm1, $0x9, v0;
	v1 =	vnsel vm0, $0x1, v4  }
0x37: {  	v2 =	vadd.s32 v3, v2  }
0x38: {  	[tilespmem:s13+$0x7200] =	vst v2  }
0x39: {  	v2 =	vld.idx.msk [tilespmem:v63+s9+$0x0], $0xffff;
	_ =	sdelay $0x1  }
0x3a: {  	v1 =	vld.idx.msk [tilespmem:v1+s10+$0x0], $0xffff;
	_ =	sdelay $0x1  }
0x3b: {  	v3 =	vshra.s32 v6, $0x1A  }
0x3c: {  	vm15 =	veq.s32 v3, v2  }
0x3d: {  	s12 =	sadd.s32 $0x1, s12;
	v2 =	vsel vm15, $0x9, v0  }
0x3e: {  	p0 =	sne.s32 s12, s7;
	v1 =	vadd.s32 v1, v2  }
.Ltmp1:
0x3f: {  	[tilespmem:s15+$0x7200] =	vst v1;
	(pc) =	sbr.rel @p0 .LBB2_1-.Ltmp1, $4  }
0x40: {  	[hbm4b:s6+s3] =	stream.linear.scatter [tilespmem:s11], [sflag:$0x1], $0x3200, $0x38;
	[tilespmem:$0xA400] =	vst v63  }
0x41: {  	_ =	swait.ge [sflag:s8], $0x3200  }
0x42: {  	[sflag:s8] =	ssyncset.done $0x0  }
0x43: {  	[sflag:s8] =	ssyncadd.s32 $0xFFFFCE00  }
0x44: {  	_ =	sfence.sel $0x180000  }
0x45: {  	[bflag:$0x0] =	sbarrier.arrive $0xFFFF  }
0x46: {  	p0 =	sne.s32 s0, $0x0;
	_ =	strace $0x90000047  }
0x47: {  	s0 =	sadd.s32 @!p0 $0x100000, s1;
	[bflag:$0x2] =	sbarrier.arrive $0xFFFF  }
0x48: {  	[sflag:s0] =	ssyncadd.tile.s32 @!p0 $0x1;
	_ =	shalt  }
.Lfunc_end2:
_tile_overlayer_lowered:
.L_overlay_start_2:
0x49: {  	(tag) =	ssettag $0x2  }
0x4a: {  	s0 =	rddreg [dreg:$0x0];
	s2 =	stileid.u32  }
0x4b: {  	s1 =	rddreg [dreg:$0x1];
	p0 =	sne.s32 s2, $0x0  }
0x4c: {  	s3 =	rddreg [dreg:$0x2];
	[bflag:$0x3] =	sbarrier.arrive $0xFFFF;
	s2 =	simm.s32 @!p0 $0x1C01  }
0x4d: {  	[timem:s3], [sflag:s2] =	dma.local @!p0 [hbm:s0], s1  }
0x4e: {  	s0 =	simm.s32 @!p0 $0x1  }
0x4f: {  	_ =	swait.ge @!p0 [sflag:s0], s1  }
0x50: {  	s1 =	ssub.s32 @!p0 $0x0, s1;
	[sflag:s0] =	ssyncset.done @!p0 $0x0  }
0x51: {  	[sflag:s0] =	ssyncadd.s32 @!p0 s1  }
0x52: {  	[bflag:$0x3] =	sbarrier.arrive $0xFFFF  }
0x53: {  	_ =	shalt  }

</sc_bundles>
